<compile_context>
chip_gen: v7x
topology: tpu7x:2x2x1
jax: 0.10.2.dev20260603
libtpu: 0.0.44.dev20260713+nightly
codegen_flags: <defaults>
</compile_context>

<pallas_src>
import functools

import jax
import jax.numpy as jnp
from jax import lax
from jax.experimental import pallas as pl
from jax.experimental.pallas import tpu as pltpu
from jax.experimental.pallas import tpu_sc as plsc

NC = 2
NS = 16
CH = 128
F0 = 0.556

_mesh = plsc.VectorSubcoreMesh(core_axis_name="c", subcore_axis_name="s")


def _split_counts(e):
    nc_pair = -(-e // (NS * CH))
    nc0 = max(1, min(nc_pair - 1, round(nc_pair * F0)))
    nc1 = nc_pair - nc0
    return nc0, nc1



@functools.partial(jax.jit, static_argnames=("n_pad", "nc0", "nc1"))
def _sc_degree(dst0, dst1, *, n_pad, nc0, nc1):
    rpt = n_pad // NS
    ncm = max(nc0, nc1)

    @functools.partial(
        pl.kernel,
        mesh=_mesh,
        out_type=jax.ShapeDtypeStruct((NC, n_pad), jnp.float32),
        scratch_types=[
            pltpu.VMEM((ncm, CH), jnp.int32),
            pltpu.VMEM((CH,), jnp.float32),
            pltpu.VMEM((rpt,), jnp.float32),
            pltpu.VMEM_SHARED((n_pad,), jnp.float32),
        ],
    )
    def deg_kernel(dst0_hbm, dst1_hbm, out_hbm, didx, ones_v, zbuf, deg_sh):
        cid = lax.axis_index("c")
        sid = lax.axis_index("s")

        @pl.when(cid == 0)
        def _():
            pltpu.sync_copy(dst0_hbm.at[sid], didx.at[pl.ds(0, nc0)])

        @pl.when(cid == 1)
        def _():
            pltpu.sync_copy(dst1_hbm.at[sid], didx.at[pl.ds(0, nc1)])

        def init_ones(i, carry):
            ones_v[pl.ds(i * 16, 16)] = jnp.ones((16,), jnp.float32)
            return carry

        lax.fori_loop(0, CH // 16, init_ones, 0)

        def init_zeros(i, carry):
            zbuf[pl.ds(i * 16, 16)] = jnp.zeros((16,), jnp.float32)
            return carry

        lax.fori_loop(0, rpt // 16, init_zeros, 0)
        pltpu.sync_copy(zbuf, deg_sh.at[pl.ds(sid * rpt, rpt)])
        plsc.subcore_barrier()

        nloc = jnp.where(cid == 0, nc0, nc1)

        def body(j, carry):
            pltpu.sync_copy(ones_v, deg_sh.at[didx.at[j]], add=True)
            return carry

        lax.fori_loop(0, nloc, body, 0)
        plsc.subcore_barrier()
        pltpu.sync_copy(deg_sh.at[pl.ds(sid * rpt, rpt)],
                        out_hbm.at[cid, pl.ds(sid * rpt, rpt)])

    return deg_kernel(dst0, dst1)


@functools.partial(jax.jit, static_argnames=("n_pad", "nc0", "nc1", "h"))
def _sc_propagate(gp, src0, dst0, src1, dst1, *, n_pad, nc0, nc1, h):
    rpt = n_pad // NS
    ncm = max(nc0, nc1)

    @functools.partial(
        pl.kernel,
        mesh=_mesh,
        out_type=jax.ShapeDtypeStruct((NC, n_pad, h), jnp.float32),
        scratch_types=[
            pltpu.VMEM((ncm, CH), jnp.int32),
            pltpu.VMEM((ncm, CH), jnp.int32),
            pltpu.VMEM((CH, h), jnp.float32),
            pltpu.VMEM_SHARED((n_pad, h), jnp.float32),
            pltpu.SemaphoreType.DMA,
        ],
        compiler_params=pltpu.CompilerParams(use_tc_tiling_on_sc=False),
    )
    def prop_kernel(gp_hbm, src0_hbm, dst0_hbm, src1_hbm, dst1_hbm, out_hbm,
                    sidx, didx, rows, acc, gsem):
        cid = lax.axis_index("c")
        sid = lax.axis_index("s")

        @pl.when(cid == 0)
        def _():
            pltpu.sync_copy(src0_hbm.at[sid], sidx.at[pl.ds(0, nc0)])
            pltpu.sync_copy(dst0_hbm.at[sid], didx.at[pl.ds(0, nc0)])

        @pl.when(cid == 1)
        def _():
            pltpu.sync_copy(src1_hbm.at[sid], sidx.at[pl.ds(0, nc1)])
            pltpu.sync_copy(dst1_hbm.at[sid], didx.at[pl.ds(0, nc1)])

        def init_zeros(i, carry):
            for c in range(h // 16):
                rows[i, pl.ds(c * 16, 16)] = jnp.zeros((16,), jnp.float32)
            return carry

        lax.fori_loop(0, CH, init_zeros, 0)
        off = 0
        while off < rpt:
            w = min(CH, rpt - off)
            pltpu.sync_copy(rows.at[pl.ds(0, w)],
                            acc.at[pl.ds(sid * rpt + off, w)])
            off += w
        plsc.subcore_barrier()

        nloc = jnp.where(cid == 0, nc0, nc1)

        def body(j, carry):
            pltpu.async_copy(gp_hbm.at[sidx.at[j]], rows, gsem).wait()
            pltpu.sync_copy(rows, acc.at[didx.at[j]], add=True)
            return carry

        lax.fori_loop(0, nloc, body, 0)
        plsc.subcore_barrier()
        pltpu.sync_copy(acc.at[pl.ds(sid * rpt, rpt)],
                        out_hbm.at[cid, pl.ds(sid * rpt, rpt)])

    return prop_kernel(gp, src0, dst0, src1, dst1)



def _prep_body(deg_ref, x_ref, w_ref, dinv_ref, gp_ref):
    d = deg_ref[0] + deg_ref[1] + 1.0
    dinv = lax.rsqrt(d)
    dinv_ref[...] = dinv
    gp_ref[...] = jnp.dot(x_ref[...], w_ref[...],
                          preferred_element_type=jnp.float32) * dinv


def _layer_body(p_ref, gp_ref, dinv_ref, w_ref, out_ref):
    s = (p_ref[0] + p_ref[1] + gp_ref[...]) * dinv_ref[...]
    hcur = jnp.where(s > 0, s, 0.01 * s)
    out_ref[...] = jnp.dot(hcur, w_ref[...],
                           preferred_element_type=jnp.float32) * dinv_ref[...]


def _recon_body(pz_ref, gpz_ref, dinvz_ref, p_ref, gp_ref, dinv_ref,
                out_ref, z_ref):
    @pl.when(pl.program_id(0) == 0)
    def _():
        sz = (pz_ref[0] + pz_ref[1] + gpz_ref[...]) * dinvz_ref[...]
        z_ref[...] = jnp.where(sz > 0, sz, 0.01 * sz)

    s = (p_ref[0] + p_ref[1] + gp_ref[...]) * dinv_ref[...]
    hs = jnp.where(s > 0, s, 0.01 * s)
    zz = lax.dot_general(z_ref[...], hs,
                         (((1,), (1,)), ((), ())),
                         preferred_element_type=jnp.float32)
    out_ref[...] = jax.nn.sigmoid(zz)



def kernel(x, edge_index, last_batch_node, pos_edges, neg_edges, W1, W2, W3, W4):
    n, d = x.shape
    h = W1.shape[1]
    b = pos_edges.shape[0]
    e = edge_index.shape[1]

    n_pad = ((n + 1 + 1023) // 1024) * 1024
    nc0, nc1 = _split_counts(e)
    e0 = NS * nc0 * CH
    e_pad = NS * (nc0 + nc1) * CH

    pad = jnp.full((e_pad - e,), n, dtype=jnp.int32)
    src0 = edge_index[0, :e0].reshape(NS, nc0, CH)
    dst0 = edge_index[1, :e0].reshape(NS, nc0, CH)
    src1 = jnp.concatenate([edge_index[0, e0:], pad]).reshape(NS, nc1, CH)
    dst1 = jnp.concatenate([edge_index[1, e0:], pad]).reshape(NS, nc1, CH)

    x_pad = jnp.zeros((n_pad, d), x.dtype).at[:n].set(x)

    deg = _sc_degree(dst0, dst1, n_pad=n_pad,
                     nc0=nc0, nc1=nc1).reshape(NC, n_pad, 1)

    dinv, gp = pl.pallas_call(
        _prep_body,
        out_shape=[
            jax.ShapeDtypeStruct((n_pad, 1), jnp.float32),
            jax.ShapeDtypeStruct((n_pad, h), jnp.float32),
        ],
    )(deg, x_pad, W1)

    for w_mat in (W2, W3, W4):
        p = _sc_propagate(gp, src0, dst0, src1, dst1,
                          n_pad=n_pad, nc0=nc0, nc1=nc1, h=h)
        gp = pl.pallas_call(
            _layer_body,
            out_shape=jax.ShapeDtypeStruct((n_pad, h), jnp.float32),
        )(p, gp, dinv, w_mat)

    p = _sc_propagate(gp, src0, dst0, src1, dst1,
                      n_pad=n_pad, nc0=nc0, nc1=nc1, h=h)

    start = jnp.asarray(last_batch_node, jnp.int32) + 1 - b
    pz = lax.dynamic_slice_in_dim(p, start, b, axis=1)
    gpz = lax.dynamic_slice_in_dim(gp, start, b, axis=0)
    dinvz = lax.dynamic_slice_in_dim(dinv, start, b, axis=0)

    cb = 1024
    recon = pl.pallas_call(
        _recon_body,
        grid=(-(-n // cb),),
        in_specs=[
            pl.BlockSpec((NC, b, h), lambda j: (0, 0, 0)),
            pl.BlockSpec((b, h), lambda j: (0, 0)),
            pl.BlockSpec((b, 1), lambda j: (0, 0)),
            pl.BlockSpec((NC, cb, h), lambda j: (0, j, 0)),
            pl.BlockSpec((cb, h), lambda j: (j, 0)),
            pl.BlockSpec((cb, 1), lambda j: (j, 0)),
        ],
        out_specs=pl.BlockSpec((b, cb), lambda j: (0, j)),
        out_shape=jax.ShapeDtypeStruct((b, n), jnp.float32),
        scratch_shapes=[pltpu.VMEM((b, h), jnp.float32)],
    )(pz, gpz, dinvz, p, gp, dinv)

    return recon

# --- scband reference (transcript-rebuilt; emitter-appended) ---
"""Pipeline reference for scband-graph-reconstruction-10522669875538 (READ-ONLY COPY).

The authoritative reference and input builder live on the scoring server;
editing this copy changes nothing except your own understanding.
"""

import jax, jax.numpy as jnp
import numpy as np

N = 10000
E = 320000
D = 128
H = 64
B = 1024


def setup_inputs(seed: int = 0) -> dict:
    key = jax.random.key(seed)
    ks = jax.random.split(key, 10)
    x = jax.random.normal(ks[0], (N, D), dtype=jnp.float32)
    edge_index = jax.random.randint(ks[1], (2, E), 0, N).astype(jnp.int32)
    pos_edges = jax.random.randint(ks[2], (B, 2), 0, N).astype(jnp.int32)
    neg_edges = jax.random.randint(ks[3], (B, 2), 0, N).astype(jnp.int32)
    W1 = jax.random.normal(ks[4], (D, H), dtype=jnp.float32) / np.sqrt(D)
    W2 = jax.random.normal(ks[5], (H, H), dtype=jnp.float32) / np.sqrt(H)
    W3 = jax.random.normal(ks[6], (H, H), dtype=jnp.float32) / np.sqrt(H)
    W4 = jax.random.normal(ks[7], (H, H), dtype=jnp.float32) / np.sqrt(H)
    return {
        'x': x, 'edge_index': edge_index, 'last_batch_node': 1023,
        'pos_edges': pos_edges, 'neg_edges': neg_edges,
        'W1': W1, 'W2': W2, 'W3': W3, 'W4': W4,
    }


def _gcn_norm(edge_index, n):
    # gcn_norm with added self loops: deg^-1/2 * A_hat * deg^-1/2
    src = edge_index[0]
    dst = edge_index[1]
    loop = jnp.arange(n, dtype=src.dtype)
    src_f = jnp.concatenate([src, loop])
    dst_f = jnp.concatenate([dst, loop])
    deg = jax.ops.segment_sum(jnp.ones_like(dst_f, dtype=jnp.float32), dst_f, num_segments=n)
    dinv = jnp.where(deg > 0, 1.0 / jnp.sqrt(deg), 0.0)
    norm_w = dinv[src_f] * dinv[dst_f]
    return src_f, dst_f, norm_w


def _gcn_conv(h, W, src, dst, norm_w, n):
    h = h @ W
    msg = h[src] * norm_w[:, None]
    return jax.ops.segment_sum(msg, dst, num_segments=n)


def _act(h):
    # nn.LeakyReLU() default negative_slope=0.01
    return jax.nn.leaky_relu(h, negative_slope=0.01)


def reference(x, edge_index, last_batch_node, pos_edges, neg_edges, W1, W2, W3, W4):
    # GraphReconstruction forward, model_str == 'dominant':
    #   edges, feats, graph_ = self.process_graph(graph)
    #   dst_nodes = torch.arange(last_batch_node + 1)
    #   recons = [self.conv(feats, edges, dst_nodes)]
    # DOMINANT_Base: 3-layer shared GCN encoder + GCN structure decoder,
    # struct reconstruction = sigmoid(Z Z^T) restricted to dst_nodes rows.
    src, dst, norm_w = _gcn_norm(edge_index, N)
    h = _act(_gcn_conv(x, W1, src, dst, norm_w, N))
    h = _act(_gcn_conv(h, W2, src, dst, norm_w, N))
    h = _act(_gcn_conv(h, W3, src, dst, norm_w, N))
    hs = _act(_gcn_conv(h, W4, src, dst, norm_w, N))
    n_dst = pos_edges.shape[0]
    start = jnp.asarray(last_batch_node, dtype=jnp.int32) + 1 - n_dst
    z_dst = jax.lax.dynamic_slice_in_dim(hs, start, n_dst, axis=0)
    recon = jax.nn.sigmoid(z_dst @ hs.T)  # [B, N] scale-wise adjacency reconstruction
    return recon


if False:  # reference __main__ guard neutralized (emitter)
    out = reference(**setup_inputs())
    print(out.shape, out.dtype)

if __name__ == "__main__":
    import jax
    _d = setup_inputs()
    print(jax.jit(kernel)(*tuple(_d.values())))

</pallas_src>

<mosaic_0001>
#map = affine_map<(d0, d1) -> (0, 0, 0)>
#map1 = affine_map<(d0, d1) -> (0, 0)>
module attributes {stable_mosaic.version = 14 : i64} {
  func.func @deg_kernel(%arg0: i32, %arg1: i32, %arg2: memref<16x87x128xi32, #tpu.memory_space<hbm>>, %arg3: memref<16x70x128xi32, #tpu.memory_space<hbm>>, %arg4: memref<2x10240xf32, #tpu.memory_space<hbm>>, %arg5: memref<87x128xi32, #tpu.memory_space<vmem>>, %arg6: memref<128xf32, #tpu.memory_space<vmem>>, %arg7: memref<640xf32, #tpu.memory_space<vmem>>, %arg8: memref<10240xf32, #tpu.memory_space<vmem_shared>>) attributes {dimension_semantics = [#tpu.dimension_semantics<core_parallel>, #tpu.dimension_semantics<subcore_parallel>], iteration_bounds = array<i64: 2, 16>, scalar_prefetch = 0 : i64, scratch_operands = 4 : i64, tpu.core_type = #tpu.core_type<sc_vector_subcore>, window_params = [{transform_indices = #map}, {transform_indices = #map}, {transform_indices = #map1}]} {
    %eq3A = arith.constant 0 : i32
    %eq3A_0 = arith.cmpi eq, %arg0, %eq3A : i32
    %convert_element_type3A = arith.extui %eq3A_0 : i1 to i32
    %cond3A = arith.constant 0 : i32
    %cond3A_1 = arith.cmpi ne, %convert_element_type3A, %cond3A : i32
    scf.if %cond3A_1 {
      "tpu.region"() ({
        %run_scoped3A = tpu.sem_alloc : memref<!tpu.dma_semaphore, #tpu.memory_space<semaphore_mem>>
        %dma_start3A = arith.constant 0 : i32
        %dma_start3A_36 = arith.constant 0 : i32
        %dma_start3A_37 = tpu.memref_slice %arg5[%dma_start3A, %dma_start3A_36] : memref<87x128xi32, #tpu.memory_space<vmem>> -> memref<87x128xi32, #tpu.memory_space<vmem>>
        %dma_start3A_38 = arith.constant 0 : i32
        %dma_start3A_39 = arith.constant 0 : i32
        %dma_start3A_40 = tpu.memref_slice %arg2[%arg1, %dma_start3A_38, %dma_start3A_39] : memref<16x87x128xi32, #tpu.memory_space<hbm>> -> memref<1x87x128xi32, #tpu.memory_space<hbm>>
        %dma_start3A_41 = tpu.memref_squeeze %dma_start3A_40 : memref<1x87x128xi32, #tpu.memory_space<hbm>> -> memref<87x128xi32, #tpu.memory_space<hbm>>
        %dma_start3A_42 = arith.constant 0 : i32
        %dma_start3A_43 = arith.constant 0 : i32
        %dma_start3A_44 = tpu.memref_slice %arg5[%dma_start3A_42, %dma_start3A_43] : memref<87x128xi32, #tpu.memory_space<vmem>> -> memref<87x128xi32, #tpu.memory_space<vmem>>
        %dma_start3A_45 = arith.constant 0 : i32
        %dma_start3A_46 = arith.constant 0 : i32
        %dma_start3A_47 = tpu.memref_slice %arg2[%arg1, %dma_start3A_45, %dma_start3A_46] : memref<16x87x128xi32, #tpu.memory_space<hbm>> -> memref<1x87x128xi32, #tpu.memory_space<hbm>>
        %dma_start3A_48 = tpu.memref_squeeze %dma_start3A_47 : memref<1x87x128xi32, #tpu.memory_space<hbm>> -> memref<87x128xi32, #tpu.memory_space<hbm>>
        tpu.enqueue_dma source(%dma_start3A_48 : memref<87x128xi32, #tpu.memory_space<hbm>>) target(%dma_start3A_44 : memref<87x128xi32, #tpu.memory_space<vmem>>) target_semaphore(%run_scoped3A : memref<!tpu.dma_semaphore, #tpu.memory_space<semaphore_mem>>)
        %dma_wait3A = arith.constant 0 : i32
        %dma_wait3A_49 = arith.constant 0 : i32
        %dma_wait3A_50 = tpu.memref_slice %arg5[%dma_wait3A, %dma_wait3A_49] : memref<87x128xi32, #tpu.memory_space<vmem>> -> memref<87x128xi32, #tpu.memory_space<vmem>>
        %dma_wait3A_51 = arith.constant 0 : i32
        %dma_wait3A_52 = arith.constant 0 : i32
        %dma_wait3A_53 = tpu.memref_slice %arg2[%arg1, %dma_wait3A_51, %dma_wait3A_52] : memref<16x87x128xi32, #tpu.memory_space<hbm>> -> memref<1x87x128xi32, #tpu.memory_space<hbm>>
        %dma_wait3A_54 = tpu.memref_squeeze %dma_wait3A_53 : memref<1x87x128xi32, #tpu.memory_space<hbm>> -> memref<87x128xi32, #tpu.memory_space<hbm>>
        %dma_wait3A_55 = arith.constant 0 : i32
        %dma_wait3A_56 = arith.constant 0 : i32
        %dma_wait3A_57 = tpu.memref_slice %arg5[%dma_wait3A_55, %dma_wait3A_56] : memref<87x128xi32, #tpu.memory_space<vmem>> -> memref<87x128xi32, #tpu.memory_space<vmem>>
        %dma_wait3A_58 = arith.constant 0 : i32
        %dma_wait3A_59 = arith.constant 0 : i32
        %dma_wait3A_60 = tpu.memref_slice %arg2[%arg1, %dma_wait3A_58, %dma_wait3A_59] : memref<16x87x128xi32, #tpu.memory_space<hbm>> -> memref<1x87x128xi32, #tpu.memory_space<hbm>>
        %dma_wait3A_61 = tpu.memref_squeeze %dma_wait3A_60 : memref<1x87x128xi32, #tpu.memory_space<hbm>> -> memref<87x128xi32, #tpu.memory_space<hbm>>
        tpu.wait_dma2 semaphore(%run_scoped3A : memref<!tpu.dma_semaphore, #tpu.memory_space<semaphore_mem>>) src(%dma_wait3A_61 : memref<87x128xi32, #tpu.memory_space<hbm>>) dst(%dma_wait3A_57 : memref<87x128xi32, #tpu.memory_space<vmem>>)
        tpu.yield
      }) : () -> ()
    } else {
    }
    %eq3A_2 = arith.constant 1 : i32
    %eq3A_3 = arith.cmpi eq, %arg0, %eq3A_2 : i32
    %convert_element_type3A_4 = arith.extui %eq3A_3 : i1 to i32
    %cond3A_5 = arith.constant 0 : i32
    %cond3A_6 = arith.cmpi ne, %convert_element_type3A_4, %cond3A_5 : i32
    scf.if %cond3A_6 {
      "tpu.region"() ({
        %run_scoped3A = tpu.sem_alloc : memref<!tpu.dma_semaphore, #tpu.memory_space<semaphore_mem>>
        %dma_start3A = arith.constant 0 : i32
        %dma_start3A_36 = arith.constant 0 : i32
        %dma_start3A_37 = tpu.memref_slice %arg5[%dma_start3A, %dma_start3A_36] : memref<87x128xi32, #tpu.memory_space<vmem>> -> memref<70x128xi32, #tpu.memory_space<vmem>>
        %dma_start3A_38 = arith.constant 0 : i32
        %dma_start3A_39 = arith.constant 0 : i32
        %dma_start3A_40 = tpu.memref_slice %arg3[%arg1, %dma_start3A_38, %dma_start3A_39] : memref<16x70x128xi32, #tpu.memory_space<hbm>> -> memref<1x70x128xi32, #tpu.memory_space<hbm>>
        %dma_start3A_41 = tpu.memref_squeeze %dma_start3A_40 : memref<1x70x128xi32, #tpu.memory_space<hbm>> -> memref<70x128xi32, #tpu.memory_space<hbm>>
        %dma_start3A_42 = arith.constant 0 : i32
        %dma_start3A_43 = arith.constant 0 : i32
        %dma_start3A_44 = tpu.memref_slice %arg5[%dma_start3A_42, %dma_start3A_43] : memref<87x128xi32, #tpu.memory_space<vmem>> -> memref<70x128xi32, #tpu.memory_space<vmem>>
        %dma_start3A_45 = arith.constant 0 : i32
        %dma_start3A_46 = arith.constant 0 : i32
        %dma_start3A_47 = tpu.memref_slice %arg3[%arg1, %dma_start3A_45, %dma_start3A_46] : memref<16x70x128xi32, #tpu.memory_space<hbm>> -> memref<1x70x128xi32, #tpu.memory_space<hbm>>
        %dma_start3A_48 = tpu.memref_squeeze %dma_start3A_47 : memref<1x70x128xi32, #tpu.memory_space<hbm>> -> memref<70x128xi32, #tpu.memory_space<hbm>>
        tpu.enqueue_dma source(%dma_start3A_48 : memref<70x128xi32, #tpu.memory_space<hbm>>) target(%dma_start3A_44 : memref<70x128xi32, #tpu.memory_space<vmem>>) target_semaphore(%run_scoped3A : memref<!tpu.dma_semaphore, #tpu.memory_space<semaphore_mem>>)
        %dma_wait3A = arith.constant 0 : i32
        %dma_wait3A_49 = arith.constant 0 : i32
        %dma_wait3A_50 = tpu.memref_slice %arg5[%dma_wait3A, %dma_wait3A_49] : memref<87x128xi32, #tpu.memory_space<vmem>> -> memref<70x128xi32, #tpu.memory_space<vmem>>
        %dma_wait3A_51 = arith.constant 0 : i32
        %dma_wait3A_52 = arith.constant 0 : i32
        %dma_wait3A_53 = tpu.memref_slice %arg3[%arg1, %dma_wait3A_51, %dma_wait3A_52] : memref<16x70x128xi32, #tpu.memory_space<hbm>> -> memref<1x70x128xi32, #tpu.memory_space<hbm>>
        %dma_wait3A_54 = tpu.memref_squeeze %dma_wait3A_53 : memref<1x70x128xi32, #tpu.memory_space<hbm>> -> memref<70x128xi32, #tpu.memory_space<hbm>>
        %dma_wait3A_55 = arith.constant 0 : i32
        %dma_wait3A_56 = arith.constant 0 : i32
        %dma_wait3A_57 = tpu.memref_slice %arg5[%dma_wait3A_55, %dma_wait3A_56] : memref<87x128xi32, #tpu.memory_space<vmem>> -> memref<70x128xi32, #tpu.memory_space<vmem>>
        %dma_wait3A_58 = arith.constant 0 : i32
        %dma_wait3A_59 = arith.constant 0 : i32
        %dma_wait3A_60 = tpu.memref_slice %arg3[%arg1, %dma_wait3A_58, %dma_wait3A_59] : memref<16x70x128xi32, #tpu.memory_space<hbm>> -> memref<1x70x128xi32, #tpu.memory_space<hbm>>
        %dma_wait3A_61 = tpu.memref_squeeze %dma_wait3A_60 : memref<1x70x128xi32, #tpu.memory_space<hbm>> -> memref<70x128xi32, #tpu.memory_space<hbm>>
        tpu.wait_dma2 semaphore(%run_scoped3A : memref<!tpu.dma_semaphore, #tpu.memory_space<semaphore_mem>>) src(%dma_wait3A_61 : memref<70x128xi32, #tpu.memory_space<hbm>>) dst(%dma_wait3A_57 : memref<70x128xi32, #tpu.memory_space<vmem>>)
        tpu.yield
      }) : () -> ()
    } else {
    }
    %scan3A = arith.constant 0 : i32
    %scan3A_7 = arith.constant 0 : i32
    %scan3A_8 = arith.constant 8 : i32
    %scan3A_9 = arith.addi %scan3A_7, %scan3A_8 : i32
    %scan3A_10 = arith.constant 1 : i32
    scf.for %scan3A_36 = %scan3A_7 to %scan3A_9 step %scan3A_10  : i32 {
      %broadcast_in_dim3A = arith.constant 1.000000e+00 : f32
      %broadcast_in_dim3A_37 = vector.broadcast %broadcast_in_dim3A : f32 to vector<16xf32>
      %mul3A_38 = arith.constant 16 : i32
      %mul3A_39 = arith.muli %scan3A_36, %mul3A_38 : i32
      %swap3A = arith.index_cast %mul3A_39 : i32 to index
      %swap3A_40 = tpu.vector_load %arg6[%swap3A] {strides = array<i32>} : memref<128xf32, #tpu.memory_space<vmem>>, vector<16xf32>,
      %swap3A_41 = vector.shape_cast %swap3A_40 : vector<16xf32> to vector<16xf32>
      %swap3A_42 = vector.shape_cast %broadcast_in_dim3A_37 : vector<16xf32> to vector<16xf32>
      tpu.vector_store %arg6[%swap3A], %swap3A_42 {strides = array<i32>} : memref<128xf32, #tpu.memory_space<vmem>>, vector<16xf32>,
    }
    %scan3A_11 = arith.constant 8 : i32
    %scan3A_12 = arith.constant 0 : i32
    %scan3A_13 = arith.constant 0 : i32
    %scan3A_14 = arith.constant 40 : i32
    %scan3A_15 = arith.addi %scan3A_13, %scan3A_14 : i32
    %scan3A_16 = arith.constant 1 : i32
    scf.for %scan3A_36 = %scan3A_13 to %scan3A_15 step %scan3A_16  : i32 {
      %broadcast_in_dim3A = arith.constant 0.000000e+00 : f32
      %broadcast_in_dim3A_37 = vector.broadcast %broadcast_in_dim3A : f32 to vector<16xf32>
      %mul3A_38 = arith.constant 16 : i32
      %mul3A_39 = arith.muli %scan3A_36, %mul3A_38 : i32
      %swap3A = arith.index_cast %mul3A_39 : i32 to index
      %swap3A_40 = tpu.vector_load %arg7[%swap3A] {strides = array<i32>} : memref<640xf32, #tpu.memory_space<vmem>>, vector<16xf32>,
      %swap3A_41 = vector.shape_cast %swap3A_40 : vector<16xf32> to vector<16xf32>
      %swap3A_42 = vector.shape_cast %broadcast_in_dim3A_37 : vector<16xf32> to vector<16xf32>
      tpu.vector_store %arg7[%swap3A], %swap3A_42 {strides = array<i32>} : memref<640xf32, #tpu.memory_space<vmem>>, vector<16xf32>,
    }
    %scan3A_17 = arith.constant 40 : i32
    %mul3A = arith.constant 640 : i32
    %mul3A_18 = arith.muli %arg1, %mul3A : i32
    "tpu.region"() ({
      %run_scoped3A = tpu.sem_alloc : memref<!tpu.dma_semaphore, #tpu.memory_space<semaphore_mem>>
      %dma_start3A = tpu.memref_slice %arg8[%mul3A_18] : memref<10240xf32, #tpu.memory_space<vmem_shared>> -> memref<640xf32, #tpu.memory_space<vmem_shared>>
      %dma_start3A_36 = tpu.memref_slice %arg8[%mul3A_18] : memref<10240xf32, #tpu.memory_space<vmem_shared>> -> memref<640xf32, #tpu.memory_space<vmem_shared>>
      tpu.enqueue_dma source(%arg7 : memref<640xf32, #tpu.memory_space<vmem>>) target(%dma_start3A_36 : memref<640xf32, #tpu.memory_space<vmem_shared>>) target_semaphore(%run_scoped3A : memref<!tpu.dma_semaphore, #tpu.memory_space<semaphore_mem>>)
      %dma_wait3A = tpu.memref_slice %arg8[%mul3A_18] : memref<10240xf32, #tpu.memory_space<vmem_shared>> -> memref<640xf32, #tpu.memory_space<vmem_shared>>
      %dma_wait3A_37 = tpu.memref_slice %arg8[%mul3A_18] : memref<10240xf32, #tpu.memory_space<vmem_shared>> -> memref<640xf32, #tpu.memory_space<vmem_shared>>
      tpu.wait_dma2 semaphore(%run_scoped3A : memref<!tpu.dma_semaphore, #tpu.memory_space<semaphore_mem>>) src(%arg7 : memref<640xf32, #tpu.memory_space<vmem>>) dst(%dma_wait3A_37 : memref<640xf32, #tpu.memory_space<vmem_shared>>)
      tpu.yield
    }) : () -> ()
    %barrier3A = arith.constant 0 : index
    tpu.barrier barrier_id(%barrier3A)
    %eq3A_19 = arith.constant 0 : i32
    %eq3A_20 = arith.cmpi eq, %arg0, %eq3A_19 : i32
    %jit3A = arith.constant 87 : i32
    %jit3A_21 = arith.constant 70 : i32
    %select_n3A = arith.select %eq3A_20, %jit3A, %jit3A_21 : i32
    %while3A = arith.constant 0 : i32
    %while3A_22 = arith.constant 0 : i32
    %while3A_23 = arith.subi %select_n3A, %while3A_22 : i32
    %while3A_24 = arith.addi %while3A_22, %while3A_23 : i32
    %while3A_25 = arith.constant 1 : i32
    %while3A_26 = arith.divsi %while3A_23, %while3A_25 : i32
    %while3A_27 = arith.muli %while3A_26, %while3A_25 : i32
    %while3A_28 = arith.addi %while3A_22, %while3A_27 : i32
    %while3A_29 = arith.constant 1 : i32
    scf.for %while3A_36 = %while3A_22 to %while3A_28 step %while3A_29  : i32 {
      "tpu.region"() ({
        %run_scoped3A = tpu.sem_alloc : memref<!tpu.dma_semaphore, #tpu.memory_space<semaphore_mem>>
        %dma_start3A = arith.constant 0 : i32
        %dma_start3A_37 = tpu.memref_slice %arg5[%while3A_36, %dma_start3A] : memref<87x128xi32, #tpu.memory_space<vmem>> -> memref<1x128xi32, #tpu.memory_space<vmem>>
        %dma_start3A_38 = tpu.memref_squeeze %dma_start3A_37 : memref<1x128xi32, #tpu.memory_space<vmem>> -> memref<128xi32, #tpu.memory_space<vmem>>
        %dma_start3A_39 = arith.constant 0 : i32
        %dma_start3A_40 = tpu.memref_slice %arg8[%dma_start3A_39] : memref<10240xf32, #tpu.memory_space<vmem_shared>> -> memref<10240xf32, #tpu.memory_space<vmem_shared>>
        tpu.enqueue_indirect_dma source(%arg6 : memref<128xf32, #tpu.memory_space<vmem>>) target(%dma_start3A_40 : memref<10240xf32, #tpu.memory_space<vmem_shared>>) offsets(%dma_start3A_38 : memref<128xi32, #tpu.memory_space<vmem>>) semaphore(%run_scoped3A : memref<!tpu.dma_semaphore, #tpu.memory_space<semaphore_mem>>) {add = true}
        %dma_wait3A = arith.constant 0 : i32
        %dma_wait3A_41 = tpu.memref_slice %arg5[%while3A_36, %dma_wait3A] : memref<87x128xi32, #tpu.memory_space<vmem>> -> memref<1x128xi32, #tpu.memory_space<vmem>>
        %dma_wait3A_42 = tpu.memref_squeeze %dma_wait3A_41 : memref<1x128xi32, #tpu.memory_space<vmem>> -> memref<128xi32, #tpu.memory_space<vmem>>
        %dma_wait3A_43 = arith.constant 0 : i32
        %dma_wait3A_44 = tpu.memref_slice %arg8[%dma_wait3A_43] : memref<10240xf32, #tpu.memory_space<vmem_shared>> -> memref<10240xf32, #tpu.memory_space<vmem_shared>>
        tpu.wait_indirect_dma semaphore(%run_scoped3A : memref<!tpu.dma_semaphore, #tpu.memory_space<semaphore_mem>>) src(%arg6 : memref<128xf32, #tpu.memory_space<vmem>>) dst(%dma_wait3A_44 : memref<10240xf32, #tpu.memory_space<vmem_shared>>)
        tpu.yield
      }) : () -> ()
    }
    %while3A_30 = arith.constant 1 : i32
    scf.for %while3A_36 = %while3A_28 to %while3A_24 step %while3A_30  : i32 {
      "tpu.region"() ({
        %run_scoped3A = tpu.sem_alloc : memref<!tpu.dma_semaphore, #tpu.memory_space<semaphore_mem>>
        %dma_start3A = arith.constant 0 : i32
        %dma_start3A_37 = tpu.memref_slice %arg5[%while3A_36, %dma_start3A] : memref<87x128xi32, #tpu.memory_space<vmem>> -> memref<1x128xi32, #tpu.memory_space<vmem>>
        %dma_start3A_38 = tpu.memref_squeeze %dma_start3A_37 : memref<1x128xi32, #tpu.memory_space<vmem>> -> memref<128xi32, #tpu.memory_space<vmem>>
        %dma_start3A_39 = arith.constant 0 : i32
        %dma_start3A_40 = tpu.memref_slice %arg8[%dma_start3A_39] : memref<10240xf32, #tpu.memory_space<vmem_shared>> -> memref<10240xf32, #tpu.memory_space<vmem_shared>>
        tpu.enqueue_indirect_dma source(%arg6 : memref<128xf32, #tpu.memory_space<vmem>>) target(%dma_start3A_40 : memref<10240xf32, #tpu.memory_space<vmem_shared>>) offsets(%dma_start3A_38 : memref<128xi32, #tpu.memory_space<vmem>>) semaphore(%run_scoped3A : memref<!tpu.dma_semaphore, #tpu.memory_space<semaphore_mem>>) {add = true}
        %dma_wait3A = arith.constant 0 : i32
        %dma_wait3A_41 = tpu.memref_slice %arg5[%while3A_36, %dma_wait3A] : memref<87x128xi32, #tpu.memory_space<vmem>> -> memref<1x128xi32, #tpu.memory_space<vmem>>
        %dma_wait3A_42 = tpu.memref_squeeze %dma_wait3A_41 : memref<1x128xi32, #tpu.memory_space<vmem>> -> memref<128xi32, #tpu.memory_space<vmem>>
        %dma_wait3A_43 = arith.constant 0 : i32
        %dma_wait3A_44 = tpu.memref_slice %arg8[%dma_wait3A_43] : memref<10240xf32, #tpu.memory_space<vmem_shared>> -> memref<10240xf32, #tpu.memory_space<vmem_shared>>
        tpu.wait_indirect_dma semaphore(%run_scoped3A : memref<!tpu.dma_semaphore, #tpu.memory_space<semaphore_mem>>) src(%arg6 : memref<128xf32, #tpu.memory_space<vmem>>) dst(%dma_wait3A_44 : memref<10240xf32, #tpu.memory_space<vmem_shared>>)
        tpu.yield
      }) : () -> ()
    }
    %barrier3A_31 = arith.constant 0 : index
    tpu.barrier barrier_id(%barrier3A_31)
    %mul3A_32 = arith.constant 640 : i32
    %mul3A_33 = arith.muli %arg1, %mul3A_32 : i32
    %mul3A_34 = arith.constant 640 : i32
    %mul3A_35 = arith.muli %arg1, %mul3A_34 : i32
    "tpu.region"() ({
      %run_scoped3A = tpu.sem_alloc : memref<!tpu.dma_semaphore, #tpu.memory_space<semaphore_mem>>
      %dma_start3A = tpu.memref_slice %arg4[%arg0, %mul3A_35] : memref<2x10240xf32, #tpu.memory_space<hbm>> -> memref<1x640xf32, #tpu.memory_space<hbm>>
      %dma_start3A_36 = tpu.memref_squeeze %dma_start3A : memref<1x640xf32, #tpu.memory_space<hbm>> -> memref<640xf32, #tpu.memory_space<hbm>>
      %dma_start3A_37 = tpu.memref_slice %arg8[%mul3A_33] : memref<10240xf32, #tpu.memory_space<vmem_shared>> -> memref<640xf32, #tpu.memory_space<vmem_shared>>
      tpu.enqueue_dma source(%dma_start3A_37 : memref<640xf32, #tpu.memory_space<vmem_shared>>) target(%dma_start3A_36 : memref<640xf32, #tpu.memory_space<hbm>>) target_semaphore(%run_scoped3A : memref<!tpu.dma_semaphore, #tpu.memory_space<semaphore_mem>>)
      %dma_wait3A = tpu.memref_slice %arg4[%arg0, %mul3A_35] : memref<2x10240xf32, #tpu.memory_space<hbm>> -> memref<1x640xf32, #tpu.memory_space<hbm>>
      %dma_wait3A_38 = tpu.memref_squeeze %dma_wait3A : memref<1x640xf32, #tpu.memory_space<hbm>> -> memref<640xf32, #tpu.memory_space<hbm>>
      %dma_wait3A_39 = tpu.memref_slice %arg8[%mul3A_33] : memref<10240xf32, #tpu.memory_space<vmem_shared>> -> memref<640xf32, #tpu.memory_space<vmem_shared>>
      tpu.wait_dma2 semaphore(%run_scoped3A : memref<!tpu.dma_semaphore, #tpu.memory_space<semaphore_mem>>) src(%dma_wait3A_39 : memref<640xf32, #tpu.memory_space<vmem_shared>>) dst(%dma_wait3A_38 : memref<640xf32, #tpu.memory_space<hbm>>)
      tpu.yield
    }) : () -> ()
    return
  }
}

</mosaic_0001>

<sc_bundles>
// kernel: _sc_degree.3.cloned.1.call-start
scs
__scs_entry_jumppad:
0x0: {  	(pc) =	sbr.rel $0x88, $3  }
0x1: {  	(tag) =	ssettag $0x0;
	lr =	simm.s32 $0x1  }
0x2: {  	[smem:$0x3F9F] =	sst lr;
	_ =	strace $0xD0000000  }
0x3: {  	_ = 	snop  }
0x4: {  	_ = 	snop  }
0x5: {  	_ = 	snop  }
0x6: {  	_ = 	snop  }
0x7: {  	_ = 	snop  }
__scs_overlays_trampoline_lowered:
0x8: {  	[smem:$0x3FAE] =	sst s0  }
0x9: {  	[smem:$0x3FAF] =	sst s1  }
0xa: {  	[smem:$0x3FB0] =	sst s2  }
0xb: {  	[smem:$0x3FB1] =	sst s3  }
0xc: {  	[smem:$0x3FB2] =	sst s4  }
0xd: {  	[smem:$0x3FB3] =	sst s5  }
0xe: {  	[smem:$0x3FB4] =	sst s6  }
0xf: {  	[smem:$0x3FB5] =	sst s7  }
0x10: {  	[smem:$0x3FB6] =	sst s8  }
0x11: {  	[smem:$0x3FB7] =	sst s9;
	s0 =	simm.s32 @!p0 $0x0  }
0x12: {  	s1 =	sld [smem:$0x3F9D];
	s0 =	simm.s32 @p0 $0x1  }
0x13: {  	[smem:$0x3FB8] =	sst s0;
	s0 =	simm.s32 @!p1 $0x0  }
0x14: {  	s2 =	sld [smem:$0x3F9C];
	s0 =	simm.s32 @p1 $0x1  }
0x15: {  	[smem:$0x3FB9] =	sst s0;
	s0 =	simm.s32 @!p2 $0x0  }
0x16: {  	s3 =	sld [smem:$0x3FDB];
	s0 =	simm.s32 @p2 $0x1  }
0x17: {  	s4 =	simm.s32 $0x1BF5;
	[smem:$0x3FBB] =	sst s0  }
0x18: {  	s0 =	sld [smem:$0x3F9E];
	_ =	swait.ge [sflag:s4], $0x0  }
0x19: {  	s7 =	sld [smem:$0x3F9F]  }
0x1a: {  	s8 =	sadd.s32 $0xFFFFE003, lr  }
0x1b: {  	s9 =	sadd.s32 $0xFFFFFEF7, lr;
	s5 =	simm.s32 $0xFFFFFFFF;
	p2 =	slt.u32 s8, $0xFFFFF086  }
0x1c: {  	p1 =	slt.u32 s9, $0xF7A;
	s5 =	simm.s32 @!p2 $0x0  }
0x1d: {  	s5 =	simm.s32 @p1 $0x1;
	p0 =	seq.s32 s7, s2  }
0x1e: {  	s7 =	smul.u32 @!p0 $0xF7A, s2;
	p2 =	seq.s32 @!p0 s5, $0x0  }
0x1f: {  	s9 =	smul.u32 $0xF7A, s1;
	s8 =	simm.s32 @!p0 $0x1BF5;
	p2 =	por !p2, p0  }
0x20: {  	[sflag:s8] =	ssyncset.s32 @!p0 $0xFFFFF086;
	s6 =	sadd.s32 @!p0 s3, s7;
	s7 =	simm.s32 @!p0 $0x108  }
0x21: {  	s3 =	sadd.s32 s3, s9;
	s6 =	sadd.s32 @!p0 $0x88, s6;
	s7 =	simm.s32 @p2 $0x1082  }
0x22: {  	[simem:s7], [sflag:s8] =	dma.local @!p0 [hbm:s6], $0xF7A  }
0x23: {  	s9 =	sor.u32 $0xD0000000, s2;
	s6 =	simm.s32 $0x108;
	_ =	swait.ge @!p0 [sflag:s8], $0x0  }
0x24: {  	s3 =	sadd.s32 $0x88, s3;
	s6 =	simm.s32 @!p1 $0x1082;
	[sflag:s4] =	ssyncset.s32 $0xFFFFF086  }
0x25: {  	[simem:s6], [sflag:s4] =	dma.local [hbm:s3], $0xF7A  }
0x26: {  	[smem:$0x3F9F] =	sst s1;
	(tag) =	ssettag s2;
	_ =	strace s9  }
0x27: {  	s1 =	sld [smem:$0x3FAF]  }
0x28: {  	s2 =	sld [smem:$0x3FB0]  }
0x29: {  	s4 =	sld [smem:$0x3FB2]  }
0x2a: {  	p0 =	seq.s32 s5, $0x0;
	s5 =	sld [smem:$0x3FB3]  }
0x2b: {  	s6 =	sld [smem:$0x3FB4]  }
0x2c: {  	s7 =	sld [smem:$0x3FB5]  }
0x2d: {  	s3 =	simm.s32 $0x108;
	s8 =	sld [smem:$0x3FB6]  }
0x2e: {  	s3 =	simm.s32 @!p0 $0x1082;
	s9 =	sld [smem:$0x3FB7]  }
0x2f: {  	lr =	sadd.s32 s0, s3;
	s0 =	sld [smem:$0x3FAE]  }
0x30: {  	s3 =	sld [smem:$0x3FB1]  }
0x31: {  	[smem:$0x3FBA] =	sst s10  }
0x32: {  	s10 =	sld [smem:$0x3FB8];
	_ =	sdelay $0x3  }
0x33: {  	p0 =	seq.s32 s10, $0x1;
	s10 =	sld [smem:$0x3FBA];
	_ =	sdelay $0x3  }
0x34: {  	[smem:$0x3FBA] =	sst s10  }
0x35: {  	s10 =	sld [smem:$0x3FB9];
	_ =	sdelay $0x3  }
0x36: {  	p1 =	seq.s32 s10, $0x1;
	s10 =	sld [smem:$0x3FBA];
	_ =	sdelay $0x3  }
0x37: {  	[smem:$0x3FBA] =	sst s10  }
0x38: {  	s10 =	sld [smem:$0x3FBB]  }
0x39: {  	_ = 	snop;
	(pc) =	sbr.ind lr, $3  }
0x3a: {  	_ = 	snop  }
0x3b: {  	_ = 	snop  }
0x3c: {  	p2 =	seq.s32 s10, $0x1;
	s10 =	sld [smem:$0x3FBA]  }
0x3d: {  	_ =	shalt  }
0x3e: {  	_ =	shalt  }
0x3f: {  	_ =	shalt  }
0x40: {  	_ =	shalt  }
0x41: {  	_ =	shalt  }
0x42: {  	_ =	shalt  }
0x43: {  	_ =	shalt  }
0x44: {  	_ =	shalt  }
0x45: {  	_ =	shalt  }
0x46: {  	_ =	shalt  }
0x47: {  	_ =	shalt  }
0x48: {  	_ =	shalt  }
0x49: {  	_ =	shalt  }
0x4a: {  	_ =	shalt  }
0x4b: {  	_ =	shalt  }
0x4c: {  	_ =	shalt  }
0x4d: {  	_ =	shalt  }
0x4e: {  	_ =	shalt  }
0x4f: {  	_ =	shalt  }
0x50: {  	_ =	shalt  }
0x51: {  	_ =	shalt  }
0x52: {  	_ =	shalt  }
0x53: {  	_ =	shalt  }
0x54: {  	_ =	shalt  }
0x55: {  	_ =	shalt  }
0x56: {  	_ =	shalt  }
0x57: {  	_ =	shalt  }
0x58: {  	_ =	shalt  }
0x59: {  	_ =	shalt  }
0x5a: {  	_ =	shalt  }
0x5b: {  	_ =	shalt  }
0x5c: {  	_ =	shalt  }
0x5d: {  	_ =	shalt  }
0x5e: {  	_ =	shalt  }
0x5f: {  	_ =	shalt  }
0x60: {  	_ =	shalt  }
0x61: {  	_ =	shalt  }
0x62: {  	_ =	shalt  }
0x63: {  	_ =	shalt  }
0x64: {  	_ =	shalt  }
0x65: {  	_ =	shalt  }
0x66: {  	_ =	shalt  }
0x67: {  	_ =	shalt  }
0x68: {  	_ =	shalt  }
0x69: {  	_ =	shalt  }
0x6a: {  	_ =	shalt  }
0x6b: {  	_ =	shalt  }
0x6c: {  	_ =	shalt  }
0x6d: {  	_ =	shalt  }
0x6e: {  	_ =	shalt  }
0x6f: {  	_ =	shalt  }
0x70: {  	_ =	shalt  }
0x71: {  	_ =	shalt  }
0x72: {  	_ =	shalt  }
0x73: {  	_ =	shalt  }
0x74: {  	_ =	shalt  }
0x75: {  	_ =	shalt  }
0x76: {  	_ =	shalt  }
0x77: {  	_ =	shalt  }
0x78: {  	_ =	shalt  }
0x79: {  	_ =	shalt  }
0x7a: {  	_ =	shalt  }
0x7b: {  	_ =	shalt  }
0x7c: {  	_ =	shalt  }
0x7d: {  	_ =	shalt  }
0x7e: {  	_ =	shalt  }
0x7f: {  	_ =	shalt  }
0x80: {  	_ =	shalt  }
0x81: {  	_ =	shalt  }
0x82: {  	_ =	shalt  }
0x83: {  	_ =	shalt  }
0x84: {  	_ =	shalt  }
0x85: {  	_ =	shalt  }
0x86: {  	_ =	shalt  }
0x87: {  	_ =	shalt  }
.Lfunc_end0:
.L_simem_size_0:
called_computation_lowered:
.L_overlay_start_0:
0x88: {  	s2 =	sld [smem:$0x3FD9]  }
0x89: {  	s3 =	sld [smem:$0x3FFE];
	_ =	sdelay $0x1  }
0x8a: {  	s1 =	srdreg.scid  }
0x8b: {  	s0 =	sand.u32 $0x1, s1  }
0x8c: {  	s17 =	sshll.u32 s0, $0xA;
	s2 =	sadd.s32 s3, s2  }
0x8d: {  	s2 =	sadd.s32 s2, s17  }
0x8e: {  	[smem:$0x3FC6] =	sst s2  }
0x8f: {  	_ = 	snop  }
0x90: {  	s2 =	sld [smem:$0x3FD0];
	(tm) =	ssettm $0x1  }
0x91: {  	s18 =	sld [smem:$0x3FFB];
	_ =	sdelay $0x3  }
0x92: {  	_ =	strace s18  }
0x93: {  	s3 =	sld [smem:$0x3FFC];
	_ =	sdelay $0x3  }
0x94: {  	_ =	strace s3  }
0x95: {  	s3 =	sld [smem:$0x3FFD];
	_ =	sdelay $0x3  }
0x96: {  	_ =	strace s3  }
0x97: {  	_ =	strace $0x8FFFFFFF  }
0x98: {  	s19 =	sld [smem:$0x3FDB];
	_ =	sdelay $0x1  }
0x99: {  	s4 =	simm.s32 $_scs_section_size  }
0x9a: {  	s5 =	simm.s32 $_size__tile_overlayer_lowered;
	s6 =	simm.s32 $_tile_overlayer_lowered  }
0x9b: {  	s22 =	simm.s32 $0x1BFF;
	s21 =	sshll.u32 s6, $0x1;
	s3 =	sadd.s32 s4, s19  }
0x9c: {  	s7 =	simm.s32 $0x0;
	s20 =	sshll.u32 s5, $0x1;
	s5 =	sadd.s32 s21, s3  }
0x9d: {  	[timem:s7], [sflag:s22] =	dma.local [hbm:s5], s20  }
0x9e: {  	_ =	swait.ge [sflag:s22], s20  }
0x9f: {  	s4 =	ssub.s32 $0x0, s20;
	[sflag:s22] =	ssyncset.done $0x0  }
0xa0: {  	[sflag:s22] =	ssyncadd.s32 s4;
	_ =	sdelay $0x1  }
0xa1: {  	s23 =	simm.s32 $0x1B8B  }
0xa2: {  	_ =	swait.ge [sflag:s23], $0x1  }
0xa3: {  	[sflag:s23] =	ssyncset.done $0x0  }
0xa4: {  	s25 =	simm.s32 $0x1B8E;
	s24 =	sld [smem:$0x3FFE];
	[sflag:s23] =	ssyncadd.s32 $0xFFFFFFFF  }
0xa5: {  	s26 =	simm.s32 $execute0_lowered;
	[smem:$0x3FD2] =	sst s25  }
0xa6: {  	s5 =	sshll.u32 s26, $0x1;
	_ =	strace $0x80000046;
	[dreg:$0x1] =	wrdreg $0xFFFFFFFF  }
0xa7: {  	s28 =	simm.s32 $_size_execute0_lowered;
	s3 =	sadd.s32 s3, s5;
	[dreg:$0x0] =	wrdreg $0x0  }
0xa8: {  	s5 =	sshll.u32 s28, $0x1;
	[dreg:$0x2] =	wrdreg s3  }
0xa9: {  	[dreg:$0x3] =	wrdreg s5  }
0xaa: {  	[dreg:$0x4] =	wrdreg $0xC0  }
0xab: {  	_ =	task [dreg:s7], $0x5FFFF  }
0xac: {  	[dreg:$0x1] =	wrdreg $0xFFFFFFFF  }
0xad: {  	[dreg:$0x0] =	wrdreg $0x60  }
0xae: {  	[dreg:$0x2] =	wrdreg s24  }
0xaf: {  	[dreg:$0x3] =	wrdreg s2  }
0xb0: {  	[dreg:$0x4] =	wrdreg $0x2F000  }
0xb1: {  	[dreg:$0x5] =	wrdreg $0x9  }
0xb2: {  	_ =	task.clear_ibuf [dreg:s7], $0x6FFFF;
	_ =	strace $0x90000046  }
0xb3: {  	s29 =	simm.s32 $0x9;
	_ =	strace $0x80000048  }
0xb4: {  	_ =	swait.ge [sflag:s29], $0x1  }
0xb5: {  	[sflag:s29] =	ssyncadd.s32 $0xFFFFFFFF  }
0xb6: {  	_ =	strace $0x90000048  }
0xb7: {  	_ =	sfence  }
0xb8: {  	s30 =	sld [smem:$0x0];
	_ =	sdelay $0x2  }
0xb9: {  	s31 =	sshll.u32 s1, $0xD;
	s1 =	sshrl.u32 s1, $0x2  }
0xba: {  	s3 =	sand.u32 $0x4000, s31;
	s1 =	sadd.s32 s1, s30  }
0xbb: {  	s0 =	sor.u32 s3, s0;
	s1 =	sshll.u32 s1, $0x11  }
0xbc: {  	s0 =	sor.u32 s1, s0  }
0xbd: {  	s0 =	sadd.s32 $0x8F2B, s0  }
0xbe: {  	[sflag:s0] =	ssyncadd.remote.s32 $0x1  }
0xbf: {  	_ =	sfence.sel $0xFFFF  }
0xc0: {  	[dreg:$0x0] =	wrdreg $0xFFFFFFFF;
	(pc) =	sbr.abs _section_cstart, $3  }
0xc1: {  	[dreg:$0x1] =	wrdreg $0xFFFFFFFF  }
0xc2: {  	_ =	task.clear_ibuf [dreg:s7], $0x2FFFF;
	_ =	strace $0x9FFFFFFF  }
0xc3: {  	(tm) =	ssettm $0x7FFFFFFF  }
tec
execute0_lowered:
.L_overlay_start_1:
0x0: {  	(tag) =	ssettag $0x1  }
0x1: {  	s4 =	rddreg [dreg:$0x0]  }
0x2: {  	s8 =	rddreg [dreg:$0x1]  }
0x3: {  	s2 =	rddreg [dreg:$0x2]  }
0x4: {  	s0 =	rddreg [dreg:$0x3]  }
0x5: {  	s1 =	stileid.u32;
	s5 =	srdreg.scid  }
0x6: {  	s3 =	simm.s32 $0x0;
	s13 =	simm.s32 $0x2C00;
	s6 =	smul.u32 $0x580, s1  }
0x7: {  	s16 =	simm.s32 $0x20;
	s17 =	simm.s32 $0x10;
	s30 =	smul.u32 $0x480, s1  }
0x8: {  	s18 =	simm.s32 $0x0;
	s10 =	sand.u32 $0x1, s5;
	s31 =	smul.u32 $0x500, s1  }
0x9: {  	[smem:$0x7FF] =	sst s3;
	s11 =	smul.u32 $0xA00, s1;
	s14 =	sshll.u32 s1, $0x6  }
0xa: {  	s7 =	ssub.s32 $0x2, s10;
	_ =	strace $0x80000047;
	p0 =	seq.s32 s10, $0x0  }
0xb: {  	s12 =	sshll.u32 s10, $0x7;
	s14 =	sor.u32 $0x1C01, s14;
	s6 =	sadd.s32 s6, s4  }
0xc: {  	s9 =	sshrl.u32 s7, $0x1;
	s4 =	sadd.s32 s30, s4;
	s11 =	sshrl.u32 s11, $0x2  }
0xd: {  	s9 =	ssub.s32 s7, s9;
	s4 =	sadd.s32 $0x600, s4;
	s7 =	sor.u32 s12, s31  }
0xe: {  	s5 =	sadd.s32 $0x4E00, s6;
	s6 =	simm.s32 $0x57;
	s12 =	sshrl.u32 s7, $0x3  }
0xf: {  	s7 =	sadd.s32 s11, s2;
	s6 =	simm.s32 @!p0 $0x46;
	s9 =	smax.u32 s9, $0x1  }
0x10: {  	p0 =	sne.s32 s10, $0x0;
	s10 =	simm.s32 $0x2C80;
	s11 =	simm.s32 $0x1  }
0x11: {  	v0 =	vimm.f32 $1.000000000e+00;
	v1 =	vimm.f32 $0.0e+00;
	s8 =	sadd.s32 s8, s12;
	s12 =	simm.s32 $0x80;
	s15 =	sshrl.u32 s7, $0x3  }
.LBB2_1:
0x12: {  	s19 =	simm.s32 @p0 $0x0  }
0x13: {  	[tilespmem:s19], [sflag:$0x1] =	stream.linear.gather @p0 [hbm4b:s4+s19], $0x2300, $0x38;
	[tilespmem:$0x3180] =	vst v63  }
0x14: {  	s19 =	simm.s32 @p0 $0x1  }
0x15: {  	_ =	swait.ge @p0 [sflag:s19], $0x2300  }
0x16: {  	[sflag:s19] =	ssyncset.done @p0 $0x0  }
0x17: {  	[sflag:s19] =	ssyncadd.s32 @p0 $0xFFFFDD00;
	s19 =	simm.s32 @!p0 $0x0  }
0x18: {  	[tilespmem:s19], [sflag:$0x1] =	stream.linear.gather @!p0 [hbm4b:s5+s19], $0x2B80, $0x38;
	[tilespmem:$0x3180] =	vst v63  }
0x19: {  	s19 =	simm.s32 @!p0 $0x1  }
0x1a: {  	_ =	swait.ge @!p0 [sflag:s19], $0x2B80  }
0x1b: {  	[sflag:s19] =	ssyncset.done @!p0 $0x0  }
0x1c: {  	[sflag:s19] =	ssyncadd.s32 @!p0 $0xFFFFD480  }
0x1d: {  	[tilespmem:$0x2C00] =	vst v0  }
0x1e: {  	[tilespmem:$0x2C10] =	vst v0  }
0x1f: {  	[tilespmem:$0x2C20] =	vst v0  }
0x20: {  	[tilespmem:$0x2C30] =	vst v0  }
0x21: {  	[tilespmem:$0x2C40] =	vst v0  }
0x22: {  	[tilespmem:$0x2C50] =	vst v0  }
0x23: {  	[tilespmem:$0x2C60] =	vst v0  }
0x24: {  	[tilespmem:$0x2C70] =	vst v0  }
0x25: {  	[tilespmem:$0x2C80] =	vst v1  }
0x26: {  	[tilespmem:$0x2C90] =	vst v1  }
0x27: {  	[tilespmem:$0x2CA0] =	vst v1  }
0x28: {  	[tilespmem:$0x2CB0] =	vst v1  }
0x29: {  	[tilespmem:$0x2CC0] =	vst v1  }
0x2a: {  	[tilespmem:$0x2CD0] =	vst v1  }
0x2b: {  	[tilespmem:$0x2CE0] =	vst v1  }
0x2c: {  	[tilespmem:$0x2CF0] =	vst v1  }
0x2d: {  	[tilespmem:$0x2D00] =	vst v1  }
0x2e: {  	[tilespmem:$0x2D10] =	vst v1  }
0x2f: {  	[tilespmem:$0x2D20] =	vst v1  }
0x30: {  	[tilespmem:$0x2D30] =	vst v1  }
0x31: {  	[tilespmem:$0x2D40] =	vst v1  }
0x32: {  	[tilespmem:$0x2D50] =	vst v1  }
0x33: {  	[tilespmem:$0x2D60] =	vst v1  }
0x34: {  	[tilespmem:$0x2D70] =	vst v1  }
0x35: {  	[tilespmem:$0x2D80] =	vst v1  }
0x36: {  	[tilespmem:$0x2D90] =	vst v1  }
0x37: {  	[tilespmem:$0x2DA0] =	vst v1  }
0x38: {  	[tilespmem:$0x2DB0] =	vst v1  }
0x39: {  	[tilespmem:$0x2DC0] =	vst v1  }
0x3a: {  	[tilespmem:$0x2DD0] =	vst v1  }
0x3b: {  	[tilespmem:$0x2DE0] =	vst v1  }
0x3c: {  	[tilespmem:$0x2DF0] =	vst v1  }
0x3d: {  	[tilespmem:$0x2E00] =	vst v1  }
0x3e: {  	[tilespmem:$0x2E10] =	vst v1  }
0x3f: {  	[tilespmem:$0x2E20] =	vst v1  }
0x40: {  	[tilespmem:$0x2E30] =	vst v1  }
0x41: {  	[tilespmem:$0x2E40] =	vst v1  }
0x42: {  	[tilespmem:$0x2E50] =	vst v1  }
0x43: {  	[tilespmem:$0x2E60] =	vst v1  }
0x44: {  	[tilespmem:$0x2E70] =	vst v1  }
0x45: {  	[tilespmem:$0x2E80] =	vst v1  }
0x46: {  	[tilespmem:$0x2E90] =	vst v1  }
0x47: {  	[tilespmem:$0x2EA0] =	vst v1  }
0x48: {  	[tilespmem:$0x2EB0] =	vst v1  }
0x49: {  	[tilespmem:$0x2EC0] =	vst v1  }
0x4a: {  	[tilespmem:$0x2ED0] =	vst v1  }
0x4b: {  	[tilespmem:$0x2EE0] =	vst v1  }
0x4c: {  	[tilespmem:$0x2EF0] =	vst v1  }
0x4d: {  	[spmem:s7] =	stream.linear.scatter [tilespmem:s10], [sflag:$0x1], $0x280, $0x38;
	[tilespmem:$0x3180] =	vst v63  }
0x4e: {  	_ =	swait.ge [sflag:s11], $0x280  }
0x4f: {  	p1 =	sne.s32 s6, $0x1;
	[sflag:s11] =	ssyncset.done $0x0  }
.Ltmp0:
0x50: {  	[sflag:s11] =	ssyncadd.s32 $0xFFFFFD80;
	(pc) =	sbr.rel @!p1 .LBB2_3-.Ltmp0, $4  }
0x51: {  	[bflag:$0x0] =	sbarrier.arrive $0xFFFF  }
0x52: {  	[spmem:s2] =	stream.indirect.scatter.add.f32 [tilespmem:s13], [sflag:$0x1], $0x1, s3, s12, $0xb8;
	[tilespmem:$0x3180] =	vst v63  }
0x53: {  	_ =	swait.ge [sflag:s11], $0x80  }
0x54: {  	s20 =	simm.s32 $0x0;
	s19 =	sadd.s32 $0xFFFFFFFF, s6;
	[sflag:s11] =	ssyncset.done $0x0  }
.LBB2_2:
0x55: {  	p1 =	sne.s32 s19, $0x1;
	[sflag:s11] =	ssyncadd.s32 $0xFFFFFF80;
	s20 =	sadd.s32 $0x80, s20  }
.Ltmp1:
0x56: {  	s19 =	sadd.s32 $0xFFFFFFFF, s19;
	(pc) =	sbr.rel @p1 .LBB2_2-.Ltmp1, $4  }
0x57: {  	_ = 	snop  }
0x58: {  	[spmem:s2] =	stream.indirect.scatter.add.f32 [tilespmem:s13], [sflag:$0x1], $0x1, s20, s12, $0xb8;
	[tilespmem:$0x3180] =	vst v63  }
0x59: {  	_ =	swait.ge [sflag:s11], $0x80  }
0x5a: {  	[sflag:s11] =	ssyncset.done $0x0  }
.LBB2_3:
0x5b: {  	s18 =	sadd.s32 $0x1, s18  }
0x5c: {  	[sflag:s11] =	ssyncadd.s32 $0xFFFFFF80;
	p1 =	sne.s32 s18, s9  }
.Ltmp2:
0x5d: {  	[bflag:$0x0] =	sbarrier.arrive $0xFFFF;
	(pc) =	sbr.rel @p1 .LBB2_1-.Ltmp2, $4  }
0x5e: {  	[hbm:s8@s16], [sflag:s14] =	dma.strided [spmem:s15@s17], $0x50, s11, $0x10   }
0x5f: {  	_ =	swait.ge [sflag:s11], $0x50  }
0x60: {  	[sflag:s11] =	ssyncset.done $0x0  }
0x61: {  	[sflag:s11] =	ssyncadd.s32 $0xFFFFFFB0  }
0x62: {  	_ =	sfence.sel $0x180000  }
0x63: {  	[bflag:$0x0] =	sbarrier.arrive $0xFFFF  }
0x64: {  	p0 =	sne.s32 s1, $0x0;
	_ =	strace $0x90000047  }
0x65: {  	s0 =	sadd.s32 @!p0 $0x100000, s0;
	[bflag:$0x2] =	sbarrier.arrive $0xFFFF  }
0x66: {  	[sflag:s0] =	ssyncadd.tile.s32 @!p0 $0x1;
	_ =	shalt  }
.Lfunc_end2:
_tile_overlayer_lowered:
.L_overlay_start_2:
0x67: {  	(tag) =	ssettag $0x2  }
0x68: {  	s0 =	rddreg [dreg:$0x0];
	s2 =	stileid.u32  }
0x69: {  	s1 =	rddreg [dreg:$0x1];
	p0 =	sne.s32 s2, $0x0  }
0x6a: {  	s3 =	rddreg [dreg:$0x2];
	[bflag:$0x3] =	sbarrier.arrive $0xFFFF;
	s2 =	simm.s32 @!p0 $0x1C01  }
0x6b: {  	[timem:s3], [sflag:s2] =	dma.local @!p0 [hbm:s0], s1  }
0x6c: {  	s0 =	simm.s32 @!p0 $0x1  }
0x6d: {  	_ =	swait.ge @!p0 [sflag:s0], s1  }
0x6e: {  	s1 =	ssub.s32 @!p0 $0x0, s1;
	[sflag:s0] =	ssyncset.done @!p0 $0x0  }
0x6f: {  	[sflag:s0] =	ssyncadd.s32 @!p0 s1  }
0x70: {  	[bflag:$0x3] =	sbarrier.arrive $0xFFFF  }
0x71: {  	_ =	shalt  }

</sc_bundles>
